<compile_context>
chip_gen: v7x
topology: tpu7x:2x2x1
jax: 0.10.2.dev20260603
libtpu: 0.0.44.dev20260713+nightly
codegen_flags: <defaults>
</compile_context>

<pallas_src>
import jax
import jax.numpy as jnp
from jax import lax
from jax.experimental import pallas as pl
from jax.experimental.pallas import tpu as pltpu, tpu_sc as plsc

D = 64
S = 200
B = 4096
NC = 2
NS = 16
NW = NC * NS
ROWS = B // NW
CH = S // 2
NBUF = 3


def _body(ids_hbm, tok_hbm, pos_hbm, out_hbm,
          idx_all, posb, buf, gsem, wsem):
    wid = lax.axis_index("s") * NC + lax.axis_index("c")
    row0 = wid * ROWS
    pltpu.sync_copy(pos_hbm.at[pl.ds(0, S)], posb)
    pltpu.sync_copy(ids_hbm.at[pl.ds(row0, ROWS)], idx_all)

    def init_and_fire(t):
        n = lax.rem(t, NBUF)

        def rloop(r2, _):
            k = r2 // CH
            r = lax.rem(r2, CH)
            for q in range(D // 16):
                buf[n, k, r, pl.ds(16 * q, 16)] = posb[r2, pl.ds(16 * q, 16)]
            return 0

        lax.fori_loop(0, S, rloop, 0)
        pltpu.async_copy(tok_hbm.at[idx_all.at[t, 0]], buf.at[n, 0],
                         gsem.at[n], add=True)
        pltpu.async_copy(tok_hbm.at[idx_all.at[t, 1]], buf.at[n, 1],
                         gsem.at[n], add=True)

    def drain(t):
        n = lax.rem(t, NBUF)
        pltpu.make_async_copy(tok_hbm.at[idx_all.at[t, 0]], buf.at[n, 0],
                              gsem.at[n]).wait()
        pltpu.make_async_copy(tok_hbm.at[idx_all.at[t, 1]], buf.at[n, 1],
                              gsem.at[n]).wait()
        pltpu.async_copy(buf.at[n, 0], out_hbm.at[row0 + t, pl.ds(0, CH)],
                         wsem.at[n])
        pltpu.async_copy(buf.at[n, 1], out_hbm.at[row0 + t, pl.ds(CH, CH)],
                         wsem.at[n])

    def flush(t):
        n = lax.rem(t, NBUF)
        pltpu.make_async_copy(buf.at[n, 0], out_hbm.at[row0 + t, pl.ds(0, CH)],
                              wsem.at[n]).wait()
        pltpu.make_async_copy(buf.at[n, 1], out_hbm.at[row0 + t, pl.ds(CH, CH)],
                              wsem.at[n]).wait()

    def step(t, carry):
        pl.when(t >= NBUF)(lambda: flush(t - NBUF))
        pl.when(t < ROWS)(lambda: init_and_fire(t))
        pl.when(jnp.logical_and(t >= 1, t < ROWS + 1))(lambda: drain(t - 1))
        return carry

    lax.fori_loop(0, ROWS + NBUF, step, 0)


def kernel(input_ids, token_embedding, position_embedding):
    ids = input_ids.astype(jnp.int32).reshape(B, 2, CH)
    mesh = plsc.VectorSubcoreMesh(core_axis_name="c", subcore_axis_name="s")
    out = pl.kernel(
        _body,
        out_type=jax.ShapeDtypeStruct((B, S, D), jnp.float32),
        mesh=mesh,
        scratch_types=[
            pltpu.VMEM((ROWS, 2, CH), jnp.int32),
            pltpu.VMEM((S, D), jnp.float32),
            pltpu.VMEM((NBUF, 2, CH, D), jnp.float32),
            pltpu.SemaphoreType.DMA((NBUF,)),
            pltpu.SemaphoreType.DMA((NBUF,)),
        ],
        compiler_params=pltpu.CompilerParams(use_tc_tiling_on_sc=False),
    )(ids, token_embedding, position_embedding)
    return out

# --- scband reference (transcript-rebuilt; emitter-appended) ---
"""Pipeline reference for scband-embedding-model-31653908971587 (READ-ONLY COPY).

The authoritative reference and input builder live on the scoring server;
editing this copy changes nothing except your own understanding.
"""

import jax, jax.numpy as jnp
import numpy as np

VOCAB = 100000
EMBED_DIM = 64
MAX_POS = 2048
BATCH = 4096
SEQ = 200

def setup_inputs(seed: int = 0) -> dict:
    key = jax.random.key(seed)
    k1, k2, k3 = jax.random.split(key, 3)
    input_ids = jax.random.randint(k1, (BATCH, SEQ), 0, VOCAB, dtype=jnp.int64 if jax.config.jax_enable_x64 else jnp.int32)
    token_embedding = jax.random.normal(k2, (VOCAB, EMBED_DIM), dtype=jnp.float32)
    # padding_idx=0 row is initialized to zeros in torch nn.Embedding
    token_embedding = token_embedding.at[0].set(0.0)
    position_embedding = jax.random.normal(k3, (MAX_POS, EMBED_DIM), dtype=jnp.float32)
    return {"input_ids": input_ids, "token_embedding": token_embedding, "position_embedding": position_embedding}

def reference(input_ids, token_embedding, position_embedding):
    batch_size, seq_len = input_ids.shape
    positions = jnp.arange(seq_len)
    tok = jnp.take(token_embedding, input_ids, axis=0)
    pos = jnp.take(position_embedding, positions, axis=0)[None, :, :]
    return tok + pos

if __name__ == "__main__":
    import jax
    _d = setup_inputs()
    print(jax.jit(kernel)(*tuple(_d.values())))

</pallas_src>

<mosaic_0001>
#map = affine_map<(d0, d1) -> (0, 0, 0)>
#map1 = affine_map<(d0, d1) -> (0, 0)>
module attributes {stable_mosaic.version = 14 : i64} {
  func.func @_body(%arg0: i32, %arg1: i32, %arg2: memref<4096x2x100xi32, #tpu.memory_space<hbm>>, %arg3: memref<100000x64xf32, #tpu.memory_space<hbm>>, %arg4: memref<2048x64xf32, #tpu.memory_space<hbm>>, %arg5: memref<4096x200x64xf32, #tpu.memory_space<hbm>>, %arg6: memref<128x2x100xi32, #tpu.memory_space<vmem>>, %arg7: memref<200x64xf32, #tpu.memory_space<vmem>>, %arg8: memref<3x2x100x64xf32, #tpu.memory_space<vmem>>, %arg9: memref<3x!tpu.dma_semaphore, #tpu.memory_space<semaphore_mem>>, %arg10: memref<3x!tpu.dma_semaphore, #tpu.memory_space<semaphore_mem>>) attributes {dimension_semantics = [#tpu.dimension_semantics<core_parallel>, #tpu.dimension_semantics<subcore_parallel>], iteration_bounds = array<i64: 2, 16>, scalar_prefetch = 0 : i64, scratch_operands = 5 : i64, tpu.core_type = #tpu.core_type<sc_vector_subcore>, window_params = [{transform_indices = #map}, {transform_indices = #map1}, {transform_indices = #map1}, {transform_indices = #map}]} {
    %mul3A = arith.constant 2 : i32
    %mul3A_0 = arith.muli %arg1, %mul3A : i32
    %add3A = arith.addi %mul3A_0, %arg0 : i32
    %mul3A_1 = arith.constant 128 : i32
    %mul3A_2 = arith.muli %add3A, %mul3A_1 : i32
    "tpu.region"() ({
      %run_scoped3A = tpu.sem_alloc : memref<!tpu.dma_semaphore, #tpu.memory_space<semaphore_mem>>
      %dma_start3A = arith.constant 0 : i32
      %dma_start3A_8 = arith.constant 0 : i32
      %dma_start3A_9 = tpu.memref_slice %arg4[%dma_start3A, %dma_start3A_8] : memref<2048x64xf32, #tpu.memory_space<hbm>> -> memref<200x64xf32, #tpu.memory_space<hbm>>
      %dma_start3A_10 = arith.constant 0 : i32
      %dma_start3A_11 = arith.constant 0 : i32
      %dma_start3A_12 = tpu.memref_slice %arg4[%dma_start3A_10, %dma_start3A_11] : memref<2048x64xf32, #tpu.memory_space<hbm>> -> memref<200x64xf32, #tpu.memory_space<hbm>>
      tpu.enqueue_dma source(%dma_start3A_12 : memref<200x64xf32, #tpu.memory_space<hbm>>) target(%arg7 : memref<200x64xf32, #tpu.memory_space<vmem>>) target_semaphore(%run_scoped3A : memref<!tpu.dma_semaphore, #tpu.memory_space<semaphore_mem>>)
      %dma_wait3A = arith.constant 0 : i32
      %dma_wait3A_13 = arith.constant 0 : i32
      %dma_wait3A_14 = tpu.memref_slice %arg4[%dma_wait3A, %dma_wait3A_13] : memref<2048x64xf32, #tpu.memory_space<hbm>> -> memref<200x64xf32, #tpu.memory_space<hbm>>
      %dma_wait3A_15 = arith.constant 0 : i32
      %dma_wait3A_16 = arith.constant 0 : i32
      %dma_wait3A_17 = tpu.memref_slice %arg4[%dma_wait3A_15, %dma_wait3A_16] : memref<2048x64xf32, #tpu.memory_space<hbm>> -> memref<200x64xf32, #tpu.memory_space<hbm>>
      tpu.wait_dma2 semaphore(%run_scoped3A : memref<!tpu.dma_semaphore, #tpu.memory_space<semaphore_mem>>) src(%dma_wait3A_17 : memref<200x64xf32, #tpu.memory_space<hbm>>) dst(%arg7 : memref<200x64xf32, #tpu.memory_space<vmem>>)
      tpu.yield
    }) : () -> ()
    "tpu.region"() ({
      %run_scoped3A = tpu.sem_alloc : memref<!tpu.dma_semaphore, #tpu.memory_space<semaphore_mem>>
      %dma_start3A = arith.constant 0 : i32
      %dma_start3A_8 = arith.constant 0 : i32
      %dma_start3A_9 = tpu.memref_slice %arg2[%mul3A_2, %dma_start3A, %dma_start3A_8] : memref<4096x2x100xi32, #tpu.memory_space<hbm>> -> memref<128x2x100xi32, #tpu.memory_space<hbm>>
      %dma_start3A_10 = arith.constant 0 : i32
      %dma_start3A_11 = arith.constant 0 : i32
      %dma_start3A_12 = tpu.memref_slice %arg2[%mul3A_2, %dma_start3A_10, %dma_start3A_11] : memref<4096x2x100xi32, #tpu.memory_space<hbm>> -> memref<128x2x100xi32, #tpu.memory_space<hbm>>
      tpu.enqueue_dma source(%dma_start3A_12 : memref<128x2x100xi32, #tpu.memory_space<hbm>>) target(%arg6 : memref<128x2x100xi32, #tpu.memory_space<vmem>>) target_semaphore(%run_scoped3A : memref<!tpu.dma_semaphore, #tpu.memory_space<semaphore_mem>>)
      %dma_wait3A = arith.constant 0 : i32
      %dma_wait3A_13 = arith.constant 0 : i32
      %dma_wait3A_14 = tpu.memref_slice %arg2[%mul3A_2, %dma_wait3A, %dma_wait3A_13] : memref<4096x2x100xi32, #tpu.memory_space<hbm>> -> memref<128x2x100xi32, #tpu.memory_space<hbm>>
      %dma_wait3A_15 = arith.constant 0 : i32
      %dma_wait3A_16 = arith.constant 0 : i32
      %dma_wait3A_17 = tpu.memref_slice %arg2[%mul3A_2, %dma_wait3A_15, %dma_wait3A_16] : memref<4096x2x100xi32, #tpu.memory_space<hbm>> -> memref<128x2x100xi32, #tpu.memory_space<hbm>>
      tpu.wait_dma2 semaphore(%run_scoped3A : memref<!tpu.dma_semaphore, #tpu.memory_space<semaphore_mem>>) src(%dma_wait3A_17 : memref<128x2x100xi32, #tpu.memory_space<hbm>>) dst(%arg6 : memref<128x2x100xi32, #tpu.memory_space<vmem>>)
      tpu.yield
    }) : () -> ()
    %scan3A = arith.constant 0 : i32
    %scan3A_3 = arith.constant 0 : i32
    %scan3A_4 = arith.constant 131 : i32
    %scan3A_5 = arith.addi %scan3A_3, %scan3A_4 : i32
    %scan3A_6 = arith.constant 1 : i32
    scf.for %scan3A_8 = %scan3A_3 to %scan3A_5 step %scan3A_6  : i32 {
      %ge3A = arith.constant 3 : i32
      %ge3A_9 = arith.cmpi sge, %scan3A_8, %ge3A : i32
      %convert_element_type3A = arith.extui %ge3A_9 : i1 to i32
      %cond3A = arith.constant 0 : i32
      %cond3A_10 = arith.cmpi ne, %convert_element_type3A, %cond3A : i32
      scf.if %cond3A_10 {
        %sub3A = arith.constant 3 : i32
        %sub3A_22 = arith.subi %scan3A_8, %sub3A : i32
        %rem3A = arith.constant 3 : i32
        %rem3A_23 = arith.remsi %sub3A_22, %rem3A : i32
        %add3A_24 = arith.addi %mul3A_2, %sub3A_22 : i32
        %dma_wait3A = arith.constant 0 : i32
        %dma_wait3A_25 = arith.constant 0 : i32
        %dma_wait3A_26 = arith.constant 0 : i32
        %dma_wait3A_27 = tpu.memref_slice %arg8[%rem3A_23, %dma_wait3A, %dma_wait3A_25, %dma_wait3A_26] : memref<3x2x100x64xf32, #tpu.memory_space<vmem>> -> memref<1x1x100x64xf32, #tpu.memory_space<vmem>>
        %dma_wait3A_28 = tpu.memref_squeeze %dma_wait3A_27 : memref<1x1x100x64xf32, #tpu.memory_space<vmem>> -> memref<100x64xf32, #tpu.memory_space<vmem>>
        %dma_wait3A_29 = arith.constant 0 : i32
        %dma_wait3A_30 = arith.constant 0 : i32
        %dma_wait3A_31 = tpu.memref_slice %arg5[%add3A_24, %dma_wait3A_29, %dma_wait3A_30] : memref<4096x200x64xf32, #tpu.memory_space<hbm>> -> memref<1x100x64xf32, #tpu.memory_space<hbm>>
        %dma_wait3A_32 = tpu.memref_squeeze %dma_wait3A_31 : memref<1x100x64xf32, #tpu.memory_space<hbm>> -> memref<100x64xf32, #tpu.memory_space<hbm>>
        %dma_wait3A_33 = tpu.memref_slice %arg10[%rem3A_23] : memref<3x!tpu.dma_semaphore, #tpu.memory_space<semaphore_mem>> -> memref<1x!tpu.dma_semaphore, #tpu.memory_space<semaphore_mem>>
        %dma_wait3A_34 = tpu.memref_squeeze %dma_wait3A_33 : memref<1x!tpu.dma_semaphore, #tpu.memory_space<semaphore_mem>> -> memref<!tpu.dma_semaphore, #tpu.memory_space<semaphore_mem>>
        %dma_wait3A_35 = arith.constant 0 : i32
        %dma_wait3A_36 = arith.constant 0 : i32
        %dma_wait3A_37 = tpu.memref_slice %arg5[%add3A_24, %dma_wait3A_35, %dma_wait3A_36] : memref<4096x200x64xf32, #tpu.memory_space<hbm>> -> memref<1x100x64xf32, #tpu.memory_space<hbm>>
        %dma_wait3A_38 = tpu.memref_squeeze %dma_wait3A_37 : memref<1x100x64xf32, #tpu.memory_space<hbm>> -> memref<100x64xf32, #tpu.memory_space<hbm>>
        %dma_wait3A_39 = arith.constant 0 : i32
        %dma_wait3A_40 = arith.constant 0 : i32
        %dma_wait3A_41 = tpu.memref_slice %arg8[%rem3A_23, %dma_wait3A, %dma_wait3A_39, %dma_wait3A_40] : memref<3x2x100x64xf32, #tpu.memory_space<vmem>> -> memref<1x1x100x64xf32, #tpu.memory_space<vmem>>
        %dma_wait3A_42 = tpu.memref_squeeze %dma_wait3A_41 : memref<1x1x100x64xf32, #tpu.memory_space<vmem>> -> memref<100x64xf32, #tpu.memory_space<vmem>>
        tpu.wait_dma2 semaphore(%dma_wait3A_34 : memref<!tpu.dma_semaphore, #tpu.memory_space<semaphore_mem>>) src(%dma_wait3A_42 : memref<100x64xf32, #tpu.memory_space<vmem>>) dst(%dma_wait3A_38 : memref<100x64xf32, #tpu.memory_space<hbm>>)
        %add3A_43 = arith.addi %mul3A_2, %sub3A_22 : i32
        %dma_wait3A_44 = arith.constant 1 : i32
        %dma_wait3A_45 = arith.constant 0 : i32
        %dma_wait3A_46 = arith.constant 0 : i32
        %dma_wait3A_47 = tpu.memref_slice %arg8[%rem3A_23, %dma_wait3A_44, %dma_wait3A_45, %dma_wait3A_46] : memref<3x2x100x64xf32, #tpu.memory_space<vmem>> -> memref<1x1x100x64xf32, #tpu.memory_space<vmem>>
        %dma_wait3A_48 = tpu.memref_squeeze %dma_wait3A_47 : memref<1x1x100x64xf32, #tpu.memory_space<vmem>> -> memref<100x64xf32, #tpu.memory_space<vmem>>
        %dma_wait3A_49 = arith.constant 100 : i32
        %dma_wait3A_50 = arith.constant 0 : i32
        %dma_wait3A_51 = tpu.memref_slice %arg5[%add3A_43, %dma_wait3A_49, %dma_wait3A_50] : memref<4096x200x64xf32, #tpu.memory_space<hbm>> -> memref<1x100x64xf32, #tpu.memory_space<hbm>>
        %dma_wait3A_52 = tpu.memref_squeeze %dma_wait3A_51 : memref<1x100x64xf32, #tpu.memory_space<hbm>> -> memref<100x64xf32, #tpu.memory_space<hbm>>
        %dma_wait3A_53 = tpu.memref_slice %arg10[%rem3A_23] : memref<3x!tpu.dma_semaphore, #tpu.memory_space<semaphore_mem>> -> memref<1x!tpu.dma_semaphore, #tpu.memory_space<semaphore_mem>>
        %dma_wait3A_54 = tpu.memref_squeeze %dma_wait3A_53 : memref<1x!tpu.dma_semaphore, #tpu.memory_space<semaphore_mem>> -> memref<!tpu.dma_semaphore, #tpu.memory_space<semaphore_mem>>
        %dma_wait3A_55 = arith.constant 100 : i32
        %dma_wait3A_56 = arith.constant 0 : i32
        %dma_wait3A_57 = tpu.memref_slice %arg5[%add3A_43, %dma_wait3A_55, %dma_wait3A_56] : memref<4096x200x64xf32, #tpu.memory_space<hbm>> -> memref<1x100x64xf32, #tpu.memory_space<hbm>>
        %dma_wait3A_58 = tpu.memref_squeeze %dma_wait3A_57 : memref<1x100x64xf32, #tpu.memory_space<hbm>> -> memref<100x64xf32, #tpu.memory_space<hbm>>
        %dma_wait3A_59 = arith.constant 0 : i32
        %dma_wait3A_60 = arith.constant 0 : i32
        %dma_wait3A_61 = tpu.memref_slice %arg8[%rem3A_23, %dma_wait3A_44, %dma_wait3A_59, %dma_wait3A_60] : memref<3x2x100x64xf32, #tpu.memory_space<vmem>> -> memref<1x1x100x64xf32, #tpu.memory_space<vmem>>
        %dma_wait3A_62 = tpu.memref_squeeze %dma_wait3A_61 : memref<1x1x100x64xf32, #tpu.memory_space<vmem>> -> memref<100x64xf32, #tpu.memory_space<vmem>>
        tpu.wait_dma2 semaphore(%dma_wait3A_54 : memref<!tpu.dma_semaphore, #tpu.memory_space<semaphore_mem>>) src(%dma_wait3A_62 : memref<100x64xf32, #tpu.memory_space<vmem>>) dst(%dma_wait3A_58 : memref<100x64xf32, #tpu.memory_space<hbm>>)
      } else {
      }
      %lt3A = arith.constant 128 : i32
      %lt3A_11 = arith.cmpi slt, %scan3A_8, %lt3A : i32
      %convert_element_type3A_12 = arith.extui %lt3A_11 : i1 to i32
      %cond3A_13 = arith.constant 0 : i32
      %cond3A_14 = arith.cmpi ne, %convert_element_type3A_12, %cond3A_13 : i32
      scf.if %cond3A_14 {
        %rem3A = arith.constant 3 : i32
        %rem3A_22 = arith.remsi %scan3A_8, %rem3A : i32
        %scan3A_23 = arith.constant 0 : i32
        %scan3A_24 = arith.constant 0 : i32
        %scan3A_25 = arith.constant 200 : i32
        %scan3A_26 = arith.addi %scan3A_24, %scan3A_25 : i32
        %scan3A_27 = arith.constant 1 : i32
        %scan3A_28 = scf.for %scan3A_57 = %scan3A_24 to %scan3A_26 step %scan3A_27 iter_args(%scan3A_58 = %scan3A_23) -> (i32)  : i32 {
          %jit3A = arith.constant 100 : i32
          %div3A = arith.divsi %scan3A_57, %jit3A : i32
          %sign3A = arith.constant 0 : i32
          %sign3A_59 = arith.cmpi sgt, %scan3A_57, %sign3A : i32
          %sign3A_60 = arith.extui %sign3A_59 : i1 to i32
          %sign3A_61 = arith.constant 0 : i32
          %sign3A_62 = arith.cmpi slt, %scan3A_57, %sign3A_61 : i32
          %sign3A_63 = arith.extui %sign3A_62 : i1 to i32
          %sign3A_64 = arith.subi %sign3A_60, %sign3A_63 : i32
          %sign3A_65 = arith.constant 0 : i32
          %sign3A_66 = arith.cmpi sgt, %jit3A, %sign3A_65 : i32
          %sign3A_67 = arith.extui %sign3A_66 : i1 to i32
          %sign3A_68 = arith.constant 0 : i32
          %sign3A_69 = arith.cmpi slt, %jit3A, %sign3A_68 : i32
          %sign3A_70 = arith.extui %sign3A_69 : i1 to i32
          %sign3A_71 = arith.subi %sign3A_67, %sign3A_70 : i32
          %ne3A = arith.cmpi ne, %sign3A_64, %sign3A_71 : i32
          %rem3A_72 = arith.remsi %scan3A_57, %jit3A : i32
          %ne3A_73 = arith.constant 0 : i32
          %ne3A_74 = arith.cmpi ne, %rem3A_72, %ne3A_73 : i32
          %and3A_75 = arith.andi %ne3A, %ne3A_74 : i1
          %sub3A = arith.constant 1 : i32
          %sub3A_76 = arith.subi %div3A, %sub3A : i32
          %select_n3A = arith.select %and3A_75, %sub3A_76, %div3A : i32
          %rem3A_77 = arith.constant 100 : i32
          %rem3A_78 = arith.remsi %scan3A_57, %rem3A_77 : i32
          %get3A = arith.index_cast %scan3A_57 : i32 to index
          %get3A_79 = arith.constant 0 : index
          %get3A_80 = tpu.vector_load %arg7[%get3A, %get3A_79] {strides = array<i32>} : memref<200x64xf32, #tpu.memory_space<vmem>>, vector<1x16xf32>,
          %get3A_81 = vector.shape_cast %get3A_80 : vector<1x16xf32> to vector<16xf32>
          %swap3A = arith.index_cast %rem3A_22 : i32 to index
          %swap3A_82 = arith.index_cast %select_n3A : i32 to index
          %swap3A_83 = arith.index_cast %rem3A_78 : i32 to index
          %swap3A_84 = arith.constant 0 : index
          %swap3A_85 = tpu.vector_load %arg8[%swap3A, %swap3A_82, %swap3A_83, %swap3A_84] {strides = array<i32>} : memref<3x2x100x64xf32, #tpu.memory_space<vmem>>, vector<1x1x1x16xf32>,
          %swap3A_86 = vector.shape_cast %swap3A_85 : vector<1x1x1x16xf32> to vector<16xf32>
          %swap3A_87 = vector.shape_cast %get3A_81 : vector<16xf32> to vector<1x1x1x16xf32>
          tpu.vector_store %arg8[%swap3A, %swap3A_82, %swap3A_83, %swap3A_84], %swap3A_87 {strides = array<i32>} : memref<3x2x100x64xf32, #tpu.memory_space<vmem>>, vector<1x1x1x16xf32>,
          %get3A_88 = arith.index_cast %scan3A_57 : i32 to index
          %get3A_89 = arith.constant 16 : index
          %get3A_90 = tpu.vector_load %arg7[%get3A_88, %get3A_89] {strides = array<i32>} : memref<200x64xf32, #tpu.memory_space<vmem>>, vector<1x16xf32>,
          %get3A_91 = vector.shape_cast %get3A_90 : vector<1x16xf32> to vector<16xf32>
          %swap3A_92 = arith.index_cast %rem3A_22 : i32 to index
          %swap3A_93 = arith.index_cast %select_n3A : i32 to index
          %swap3A_94 = arith.index_cast %rem3A_78 : i32 to index
          %swap3A_95 = arith.constant 16 : index
          %swap3A_96 = tpu.vector_load %arg8[%swap3A_92, %swap3A_93, %swap3A_94, %swap3A_95] {strides = array<i32>} : memref<3x2x100x64xf32, #tpu.memory_space<vmem>>, vector<1x1x1x16xf32>,
          %swap3A_97 = vector.shape_cast %swap3A_96 : vector<1x1x1x16xf32> to vector<16xf32>
          %swap3A_98 = vector.shape_cast %get3A_91 : vector<16xf32> to vector<1x1x1x16xf32>
          tpu.vector_store %arg8[%swap3A_92, %swap3A_93, %swap3A_94, %swap3A_95], %swap3A_98 {strides = array<i32>} : memref<3x2x100x64xf32, #tpu.memory_space<vmem>>, vector<1x1x1x16xf32>,
          %get3A_99 = arith.index_cast %scan3A_57 : i32 to index
          %get3A_100 = arith.constant 32 : index
          %get3A_101 = tpu.vector_load %arg7[%get3A_99, %get3A_100] {strides = array<i32>} : memref<200x64xf32, #tpu.memory_space<vmem>>, vector<1x16xf32>,
          %get3A_102 = vector.shape_cast %get3A_101 : vector<1x16xf32> to vector<16xf32>
          %swap3A_103 = arith.index_cast %rem3A_22 : i32 to index
          %swap3A_104 = arith.index_cast %select_n3A : i32 to index
          %swap3A_105 = arith.index_cast %rem3A_78 : i32 to index
          %swap3A_106 = arith.constant 32 : index
          %swap3A_107 = tpu.vector_load %arg8[%swap3A_103, %swap3A_104, %swap3A_105, %swap3A_106] {strides = array<i32>} : memref<3x2x100x64xf32, #tpu.memory_space<vmem>>, vector<1x1x1x16xf32>,
          %swap3A_108 = vector.shape_cast %swap3A_107 : vector<1x1x1x16xf32> to vector<16xf32>
          %swap3A_109 = vector.shape_cast %get3A_102 : vector<16xf32> to vector<1x1x1x16xf32>
          tpu.vector_store %arg8[%swap3A_103, %swap3A_104, %swap3A_105, %swap3A_106], %swap3A_109 {strides = array<i32>} : memref<3x2x100x64xf32, #tpu.memory_space<vmem>>, vector<1x1x1x16xf32>,
          %get3A_110 = arith.index_cast %scan3A_57 : i32 to index
          %get3A_111 = arith.constant 48 : index
          %get3A_112 = tpu.vector_load %arg7[%get3A_110, %get3A_111] {strides = array<i32>} : memref<200x64xf32, #tpu.memory_space<vmem>>, vector<1x16xf32>,
          %get3A_113 = vector.shape_cast %get3A_112 : vector<1x16xf32> to vector<16xf32>
          %swap3A_114 = arith.index_cast %rem3A_22 : i32 to index
          %swap3A_115 = arith.index_cast %select_n3A : i32 to index
          %swap3A_116 = arith.index_cast %rem3A_78 : i32 to index
          %swap3A_117 = arith.constant 48 : index
          %swap3A_118 = tpu.vector_load %arg8[%swap3A_114, %swap3A_115, %swap3A_116, %swap3A_117] {strides = array<i32>} : memref<3x2x100x64xf32, #tpu.memory_space<vmem>>, vector<1x1x1x16xf32>,
          %swap3A_119 = vector.shape_cast %swap3A_118 : vector<1x1x1x16xf32> to vector<16xf32>
          %swap3A_120 = vector.shape_cast %get3A_113 : vector<16xf32> to vector<1x1x1x16xf32>
          tpu.vector_store %arg8[%swap3A_114, %swap3A_115, %swap3A_116, %swap3A_117], %swap3A_120 {strides = array<i32>} : memref<3x2x100x64xf32, #tpu.memory_space<vmem>>, vector<1x1x1x16xf32>,
          %scan3A_121 = arith.constant 0 : i32
          scf.yield %scan3A_121 : i32
        }
        %scan3A_29 = arith.constant 200 : i32
        %dma_start3A = arith.constant 0 : i32
        %dma_start3A_30 = arith.constant 0 : i32
        %dma_start3A_31 = arith.constant 0 : i32
        %dma_start3A_32 = arith.constant 0 : i32
        %dma_start3A_33 = tpu.memref_slice %arg8[%rem3A_22, %dma_start3A_30, %dma_start3A_31, %dma_start3A_32] : memref<3x2x100x64xf32, #tpu.memory_space<vmem>> -> memref<1x1x100x64xf32, #tpu.memory_space<vmem>>
        %dma_start3A_34 = tpu.memref_squeeze %dma_start3A_33 : memref<1x1x100x64xf32, #tpu.memory_space<vmem>> -> memref<100x64xf32, #tpu.memory_space<vmem>>
        %dma_start3A_35 = arith.constant 0 : i32
        %dma_start3A_36 = tpu.memref_slice %arg6[%scan3A_8, %dma_start3A, %dma_start3A_35] : memref<128x2x100xi32, #tpu.memory_space<vmem>> -> memref<1x1x100xi32, #tpu.memory_space<vmem>>
        %dma_start3A_37 = tpu.memref_squeeze %dma_start3A_36 : memref<1x1x100xi32, #tpu.memory_space<vmem>> -> memref<100xi32, #tpu.memory_space<vmem>>
        %dma_start3A_38 = arith.constant 0 : i32
        %dma_start3A_39 = arith.constant 0 : i32
        %dma_start3A_40 = tpu.memref_slice %arg3[%dma_start3A_38, %dma_start3A_39] : memref<100000x64xf32, #tpu.memory_space<hbm>> -> memref<100000x64xf32, #tpu.memory_space<hbm>>
        %dma_start3A_41 = tpu.memref_slice %arg9[%rem3A_22] : memref<3x!tpu.dma_semaphore, #tpu.memory_space<semaphore_mem>> -> memref<1x!tpu.dma_semaphore, #tpu.memory_space<semaphore_mem>>
        %dma_start3A_42 = tpu.memref_squeeze %dma_start3A_41 : memref<1x!tpu.dma_semaphore, #tpu.memory_space<semaphore_mem>> -> memref<!tpu.dma_semaphore, #tpu.memory_space<semaphore_mem>>
        tpu.enqueue_indirect_dma source(%dma_start3A_40 : memref<100000x64xf32, #tpu.memory_space<hbm>>) target(%dma_start3A_34 : memref<100x64xf32, #tpu.memory_space<vmem>>) offsets(%dma_start3A_37 : memref<100xi32, #tpu.memory_space<vmem>>) semaphore(%dma_start3A_42 : memref<!tpu.dma_semaphore, #tpu.memory_space<semaphore_mem>>) {add = true}
        %dma_start3A_43 = arith.constant 1 : i32
        %dma_start3A_44 = arith.constant 1 : i32
        %dma_start3A_45 = arith.constant 0 : i32
        %dma_start3A_46 = arith.constant 0 : i32
        %dma_start3A_47 = tpu.memref_slice %arg8[%rem3A_22, %dma_start3A_44, %dma_start3A_45, %dma_start3A_46] : memref<3x2x100x64xf32, #tpu.memory_space<vmem>> -> memref<1x1x100x64xf32, #tpu.memory_space<vmem>>
        %dma_start3A_48 = tpu.memref_squeeze %dma_start3A_47 : memref<1x1x100x64xf32, #tpu.memory_space<vmem>> -> memref<100x64xf32, #tpu.memory_space<vmem>>
        %dma_start3A_49 = arith.constant 0 : i32
        %dma_start3A_50 = tpu.memref_slice %arg6[%scan3A_8, %dma_start3A_43, %dma_start3A_49] : memref<128x2x100xi32, #tpu.memory_space<vmem>> -> memref<1x1x100xi32, #tpu.memory_space<vmem>>
        %dma_start3A_51 = tpu.memref_squeeze %dma_start3A_50 : memref<1x1x100xi32, #tpu.memory_space<vmem>> -> memref<100xi32, #tpu.memory_space<vmem>>
        %dma_start3A_52 = arith.constant 0 : i32
        %dma_start3A_53 = arith.constant 0 : i32
        %dma_start3A_54 = tpu.memref_slice %arg3[%dma_start3A_52, %dma_start3A_53] : memref<100000x64xf32, #tpu.memory_space<hbm>> -> memref<100000x64xf32, #tpu.memory_space<hbm>>
        %dma_start3A_55 = tpu.memref_slice %arg9[%rem3A_22] : memref<3x!tpu.dma_semaphore, #tpu.memory_space<semaphore_mem>> -> memref<1x!tpu.dma_semaphore, #tpu.memory_space<semaphore_mem>>
        %dma_start3A_56 = tpu.memref_squeeze %dma_start3A_55 : memref<1x!tpu.dma_semaphore, #tpu.memory_space<semaphore_mem>> -> memref<!tpu.dma_semaphore, #tpu.memory_space<semaphore_mem>>
        tpu.enqueue_indirect_dma source(%dma_start3A_54 : memref<100000x64xf32, #tpu.memory_space<hbm>>) target(%dma_start3A_48 : memref<100x64xf32, #tpu.memory_space<vmem>>) offsets(%dma_start3A_51 : memref<100xi32, #tpu.memory_space<vmem>>) semaphore(%dma_start3A_56 : memref<!tpu.dma_semaphore, #tpu.memory_space<semaphore_mem>>) {add = true}
      } else {
      }
      %ge3A_15 = arith.constant 1 : i32
      %ge3A_16 = arith.cmpi sge, %scan3A_8, %ge3A_15 : i32
      %lt3A_17 = arith.constant 129 : i32
      %lt3A_18 = arith.cmpi slt, %scan3A_8, %lt3A_17 : i32
      %and3A = arith.andi %ge3A_16, %lt3A_18 : i1
      %convert_element_type3A_19 = arith.extui %and3A : i1 to i32
      %cond3A_20 = arith.constant 0 : i32
      %cond3A_21 = arith.cmpi ne, %convert_element_type3A_19, %cond3A_20 : i32
      scf.if %cond3A_21 {
        %sub3A = arith.constant 1 : i32
        %sub3A_22 = arith.subi %scan3A_8, %sub3A : i32
        %rem3A = arith.constant 3 : i32
        %rem3A_23 = arith.remsi %sub3A_22, %rem3A : i32
        %dma_wait3A = arith.constant 0 : i32
        %dma_wait3A_24 = arith.constant 0 : i32
        %dma_wait3A_25 = arith.constant 0 : i32
        %dma_wait3A_26 = arith.constant 0 : i32
        %dma_wait3A_27 = tpu.memref_slice %arg8[%rem3A_23, %dma_wait3A_24, %dma_wait3A_25, %dma_wait3A_26] : memref<3x2x100x64xf32, #tpu.memory_space<vmem>> -> memref<1x1x100x64xf32, #tpu.memory_space<vmem>>
        %dma_wait3A_28 = tpu.memref_squeeze %dma_wait3A_27 : memref<1x1x100x64xf32, #tpu.memory_space<vmem>> -> memref<100x64xf32, #tpu.memory_space<vmem>>
        %dma_wait3A_29 = arith.constant 0 : i32
        %dma_wait3A_30 = tpu.memref_slice %arg6[%sub3A_22, %dma_wait3A, %dma_wait3A_29] : memref<128x2x100xi32, #tpu.memory_space<vmem>> -> memref<1x1x100xi32, #tpu.memory_space<vmem>>
        %dma_wait3A_31 = tpu.memref_squeeze %dma_wait3A_30 : memref<1x1x100xi32, #tpu.memory_space<vmem>> -> memref<100xi32, #tpu.memory_space<vmem>>
        %dma_wait3A_32 = arith.constant 0 : i32
        %dma_wait3A_33 = arith.constant 0 : i32
        %dma_wait3A_34 = tpu.memref_slice %arg3[%dma_wait3A_32, %dma_wait3A_33] : memref<100000x64xf32, #tpu.memory_space<hbm>> -> memref<100000x64xf32, #tpu.memory_space<hbm>>
        %dma_wait3A_35 = tpu.memref_slice %arg9[%rem3A_23] : memref<3x!tpu.dma_semaphore, #tpu.memory_space<semaphore_mem>> -> memref<1x!tpu.dma_semaphore, #tpu.memory_space<semaphore_mem>>
        %dma_wait3A_36 = tpu.memref_squeeze %dma_wait3A_35 : memref<1x!tpu.dma_semaphore, #tpu.memory_space<semaphore_mem>> -> memref<!tpu.dma_semaphore, #tpu.memory_space<semaphore_mem>>
        tpu.wait_indirect_dma semaphore(%dma_wait3A_36 : memref<!tpu.dma_semaphore, #tpu.memory_space<semaphore_mem>>) src(%dma_wait3A_34 : memref<100000x64xf32, #tpu.memory_space<hbm>>) dst(%dma_wait3A_28 : memref<100x64xf32, #tpu.memory_space<vmem>>)
        %dma_wait3A_37 = arith.constant 1 : i32
        %dma_wait3A_38 = arith.constant 1 : i32
        %dma_wait3A_39 = arith.constant 0 : i32
        %dma_wait3A_40 = arith.constant 0 : i32
        %dma_wait3A_41 = tpu.memref_slice %arg8[%rem3A_23, %dma_wait3A_38, %dma_wait3A_39, %dma_wait3A_40] : memref<3x2x100x64xf32, #tpu.memory_space<vmem>> -> memref<1x1x100x64xf32, #tpu.memory_space<vmem>>
        %dma_wait3A_42 = tpu.memref_squeeze %dma_wait3A_41 : memref<1x1x100x64xf32, #tpu.memory_space<vmem>> -> memref<100x64xf32, #tpu.memory_space<vmem>>
        %dma_wait3A_43 = arith.constant 0 : i32
        %dma_wait3A_44 = tpu.memref_slice %arg6[%sub3A_22, %dma_wait3A_37, %dma_wait3A_43] : memref<128x2x100xi32, #tpu.memory_space<vmem>> -> memref<1x1x100xi32, #tpu.memory_space<vmem>>
        %dma_wait3A_45 = tpu.memref_squeeze %dma_wait3A_44 : memref<1x1x100xi32, #tpu.memory_space<vmem>> -> memref<100xi32, #tpu.memory_space<vmem>>
        %dma_wait3A_46 = arith.constant 0 : i32
        %dma_wait3A_47 = arith.constant 0 : i32
        %dma_wait3A_48 = tpu.memref_slice %arg3[%dma_wait3A_46, %dma_wait3A_47] : memref<100000x64xf32, #tpu.memory_space<hbm>> -> memref<100000x64xf32, #tpu.memory_space<hbm>>
        %dma_wait3A_49 = tpu.memref_slice %arg9[%rem3A_23] : memref<3x!tpu.dma_semaphore, #tpu.memory_space<semaphore_mem>> -> memref<1x!tpu.dma_semaphore, #tpu.memory_space<semaphore_mem>>
        %dma_wait3A_50 = tpu.memref_squeeze %dma_wait3A_49 : memref<1x!tpu.dma_semaphore, #tpu.memory_space<semaphore_mem>> -> memref<!tpu.dma_semaphore, #tpu.memory_space<semaphore_mem>>
        tpu.wait_indirect_dma semaphore(%dma_wait3A_50 : memref<!tpu.dma_semaphore, #tpu.memory_space<semaphore_mem>>) src(%dma_wait3A_48 : memref<100000x64xf32, #tpu.memory_space<hbm>>) dst(%dma_wait3A_42 : memref<100x64xf32, #tpu.memory_space<vmem>>)
        %add3A_51 = arith.addi %mul3A_2, %sub3A_22 : i32
        %dma_start3A = arith.constant 0 : i32
        %dma_start3A_52 = arith.constant 0 : i32
        %dma_start3A_53 = arith.constant 0 : i32
        %dma_start3A_54 = tpu.memref_slice %arg8[%rem3A_23, %dma_start3A, %dma_start3A_52, %dma_start3A_53] : memref<3x2x100x64xf32, #tpu.memory_space<vmem>> -> memref<1x1x100x64xf32, #tpu.memory_space<vmem>>
        %dma_start3A_55 = tpu.memref_squeeze %dma_start3A_54 : memref<1x1x100x64xf32, #tpu.memory_space<vmem>> -> memref<100x64xf32, #tpu.memory_space<vmem>>
        %dma_start3A_56 = arith.constant 0 : i32
        %dma_start3A_57 = arith.constant 0 : i32
        %dma_start3A_58 = tpu.memref_slice %arg5[%add3A_51, %dma_start3A_56, %dma_start3A_57] : memref<4096x200x64xf32, #tpu.memory_space<hbm>> -> memref<1x100x64xf32, #tpu.memory_space<hbm>>
        %dma_start3A_59 = tpu.memref_squeeze %dma_start3A_58 : memref<1x100x64xf32, #tpu.memory_space<hbm>> -> memref<100x64xf32, #tpu.memory_space<hbm>>
        %dma_start3A_60 = tpu.memref_slice %arg10[%rem3A_23] : memref<3x!tpu.dma_semaphore, #tpu.memory_space<semaphore_mem>> -> memref<1x!tpu.dma_semaphore, #tpu.memory_space<semaphore_mem>>
        %dma_start3A_61 = tpu.memref_squeeze %dma_start3A_60 : memref<1x!tpu.dma_semaphore, #tpu.memory_space<semaphore_mem>> -> memref<!tpu.dma_semaphore, #tpu.memory_space<semaphore_mem>>
        %dma_start3A_62 = arith.constant 0 : i32
        %dma_start3A_63 = arith.constant 0 : i32
        %dma_start3A_64 = tpu.memref_slice %arg5[%add3A_51, %dma_start3A_62, %dma_start3A_63] : memref<4096x200x64xf32, #tpu.memory_space<hbm>> -> memref<1x100x64xf32, #tpu.memory_space<hbm>>
        %dma_start3A_65 = tpu.memref_squeeze %dma_start3A_64 : memref<1x100x64xf32, #tpu.memory_space<hbm>> -> memref<100x64xf32, #tpu.memory_space<hbm>>
        %dma_start3A_66 = arith.constant 0 : i32
        %dma_start3A_67 = arith.constant 0 : i32
        %dma_start3A_68 = tpu.memref_slice %arg8[%rem3A_23, %dma_start3A, %dma_start3A_66, %dma_start3A_67] : memref<3x2x100x64xf32, #tpu.memory_space<vmem>> -> memref<1x1x100x64xf32, #tpu.memory_space<vmem>>
        %dma_start3A_69 = tpu.memref_squeeze %dma_start3A_68 : memref<1x1x100x64xf32, #tpu.memory_space<vmem>> -> memref<100x64xf32, #tpu.memory_space<vmem>>
        tpu.enqueue_dma source(%dma_start3A_69 : memref<100x64xf32, #tpu.memory_space<vmem>>) target(%dma_start3A_65 : memref<100x64xf32, #tpu.memory_space<hbm>>) target_semaphore(%dma_start3A_61 : memref<!tpu.dma_semaphore, #tpu.memory_space<semaphore_mem>>)
        %add3A_70 = arith.addi %mul3A_2, %sub3A_22 : i32
        %dma_start3A_71 = arith.constant 1 : i32
        %dma_start3A_72 = arith.constant 0 : i32
        %dma_start3A_73 = arith.constant 0 : i32
        %dma_start3A_74 = tpu.memref_slice %arg8[%rem3A_23, %dma_start3A_71, %dma_start3A_72, %dma_start3A_73] : memref<3x2x100x64xf32, #tpu.memory_space<vmem>> -> memref<1x1x100x64xf32, #tpu.memory_space<vmem>>
        %dma_start3A_75 = tpu.memref_squeeze %dma_start3A_74 : memref<1x1x100x64xf32, #tpu.memory_space<vmem>> -> memref<100x64xf32, #tpu.memory_space<vmem>>
        %dma_start3A_76 = arith.constant 100 : i32
        %dma_start3A_77 = arith.constant 0 : i32
        %dma_start3A_78 = tpu.memref_slice %arg5[%add3A_70, %dma_start3A_76, %dma_start3A_77] : memref<4096x200x64xf32, #tpu.memory_space<hbm>> -> memref<1x100x64xf32, #tpu.memory_space<hbm>>
        %dma_start3A_79 = tpu.memref_squeeze %dma_start3A_78 : memref<1x100x64xf32, #tpu.memory_space<hbm>> -> memref<100x64xf32, #tpu.memory_space<hbm>>
        %dma_start3A_80 = tpu.memref_slice %arg10[%rem3A_23] : memref<3x!tpu.dma_semaphore, #tpu.memory_space<semaphore_mem>> -> memref<1x!tpu.dma_semaphore, #tpu.memory_space<semaphore_mem>>
        %dma_start3A_81 = tpu.memref_squeeze %dma_start3A_80 : memref<1x!tpu.dma_semaphore, #tpu.memory_space<semaphore_mem>> -> memref<!tpu.dma_semaphore, #tpu.memory_space<semaphore_mem>>
        %dma_start3A_82 = arith.constant 100 : i32
        %dma_start3A_83 = arith.constant 0 : i32
        %dma_start3A_84 = tpu.memref_slice %arg5[%add3A_70, %dma_start3A_82, %dma_start3A_83] : memref<4096x200x64xf32, #tpu.memory_space<hbm>> -> memref<1x100x64xf32, #tpu.memory_space<hbm>>
        %dma_start3A_85 = tpu.memref_squeeze %dma_start3A_84 : memref<1x100x64xf32, #tpu.memory_space<hbm>> -> memref<100x64xf32, #tpu.memory_space<hbm>>
        %dma_start3A_86 = arith.constant 0 : i32
        %dma_start3A_87 = arith.constant 0 : i32
        %dma_start3A_88 = tpu.memref_slice %arg8[%rem3A_23, %dma_start3A_71, %dma_start3A_86, %dma_start3A_87] : memref<3x2x100x64xf32, #tpu.memory_space<vmem>> -> memref<1x1x100x64xf32, #tpu.memory_space<vmem>>
        %dma_start3A_89 = tpu.memref_squeeze %dma_start3A_88 : memref<1x1x100x64xf32, #tpu.memory_space<vmem>> -> memref<100x64xf32, #tpu.memory_space<vmem>>
        tpu.enqueue_dma source(%dma_start3A_89 : memref<100x64xf32, #tpu.memory_space<vmem>>) target(%dma_start3A_85 : memref<100x64xf32, #tpu.memory_space<hbm>>) target_semaphore(%dma_start3A_81 : memref<!tpu.dma_semaphore, #tpu.memory_space<semaphore_mem>>)
      } else {
      }
    }
    %scan3A_7 = arith.constant 131 : i32
    return
  }
}

</mosaic_0001>

<sc_bundles>
// kernel: kernel.3.cloned.1.call-start
scs
__scs_entry_jumppad:
0x0: {  	(pc) =	sbr.rel $0x88, $3  }
0x1: {  	(tag) =	ssettag $0x0;
	lr =	simm.s32 $0x1  }
0x2: {  	[smem:$0x3F9E] =	sst lr;
	_ =	strace $0xD0000000  }
0x3: {  	_ = 	snop  }
0x4: {  	_ = 	snop  }
0x5: {  	_ = 	snop  }
0x6: {  	_ = 	snop  }
0x7: {  	_ = 	snop  }
__scs_overlays_trampoline_lowered:
0x8: {  	[smem:$0x3FAD] =	sst s0  }
0x9: {  	[smem:$0x3FAE] =	sst s1  }
0xa: {  	[smem:$0x3FAF] =	sst s2  }
0xb: {  	[smem:$0x3FB0] =	sst s3  }
0xc: {  	[smem:$0x3FB1] =	sst s4  }
0xd: {  	[smem:$0x3FB2] =	sst s5  }
0xe: {  	[smem:$0x3FB3] =	sst s6  }
0xf: {  	[smem:$0x3FB4] =	sst s7  }
0x10: {  	[smem:$0x3FB5] =	sst s8  }
0x11: {  	[smem:$0x3FB6] =	sst s9;
	s0 =	simm.s32 @!p0 $0x0  }
0x12: {  	s1 =	sld [smem:$0x3F9C];
	s0 =	simm.s32 @p0 $0x1  }
0x13: {  	[smem:$0x3FB7] =	sst s0;
	s0 =	simm.s32 @!p1 $0x0  }
0x14: {  	s2 =	sld [smem:$0x3F9B];
	s0 =	simm.s32 @p1 $0x1  }
0x15: {  	[smem:$0x3FB8] =	sst s0;
	s0 =	simm.s32 @!p2 $0x0  }
0x16: {  	s3 =	sld [smem:$0x3FDB];
	s0 =	simm.s32 @p2 $0x1  }
0x17: {  	s4 =	simm.s32 $0x1BF5;
	[smem:$0x3FBA] =	sst s0  }
0x18: {  	s0 =	sld [smem:$0x3F9D];
	_ =	swait.ge [sflag:s4], $0x0  }
0x19: {  	s7 =	sld [smem:$0x3F9E]  }
0x1a: {  	s8 =	sadd.s32 $0xFFFFE003, lr  }
0x1b: {  	s9 =	sadd.s32 $0xFFFFFEF7, lr;
	s5 =	simm.s32 $0xFFFFFFFF;
	p2 =	slt.u32 s8, $0xFFFFF086  }
0x1c: {  	p1 =	slt.u32 s9, $0xF7A;
	s5 =	simm.s32 @!p2 $0x0  }
0x1d: {  	s5 =	simm.s32 @p1 $0x1;
	p0 =	seq.s32 s7, s2  }
0x1e: {  	s7 =	smul.u32 @!p0 $0xF7A, s2;
	p2 =	seq.s32 @!p0 s5, $0x0  }
0x1f: {  	s9 =	smul.u32 $0xF7A, s1;
	s8 =	simm.s32 @!p0 $0x1BF5;
	p2 =	por !p2, p0  }
0x20: {  	[sflag:s8] =	ssyncset.s32 @!p0 $0xFFFFF086;
	s6 =	sadd.s32 @!p0 s3, s7;
	s7 =	simm.s32 @!p0 $0x108  }
0x21: {  	s3 =	sadd.s32 s3, s9;
	s6 =	sadd.s32 @!p0 $0x88, s6;
	s7 =	simm.s32 @p2 $0x1082  }
0x22: {  	[simem:s7], [sflag:s8] =	dma.local @!p0 [hbm:s6], $0xF7A  }
0x23: {  	s9 =	sor.u32 $0xD0000000, s2;
	s6 =	simm.s32 $0x108;
	_ =	swait.ge @!p0 [sflag:s8], $0x0  }
0x24: {  	s3 =	sadd.s32 $0x88, s3;
	s6 =	simm.s32 @!p1 $0x1082;
	[sflag:s4] =	ssyncset.s32 $0xFFFFF086  }
0x25: {  	[simem:s6], [sflag:s4] =	dma.local [hbm:s3], $0xF7A  }
0x26: {  	[smem:$0x3F9E] =	sst s1;
	(tag) =	ssettag s2;
	_ =	strace s9  }
0x27: {  	s1 =	sld [smem:$0x3FAE]  }
0x28: {  	s2 =	sld [smem:$0x3FAF]  }
0x29: {  	s4 =	sld [smem:$0x3FB1]  }
0x2a: {  	p0 =	seq.s32 s5, $0x0;
	s5 =	sld [smem:$0x3FB2]  }
0x2b: {  	s6 =	sld [smem:$0x3FB3]  }
0x2c: {  	s7 =	sld [smem:$0x3FB4]  }
0x2d: {  	s3 =	simm.s32 $0x108;
	s8 =	sld [smem:$0x3FB5]  }
0x2e: {  	s3 =	simm.s32 @!p0 $0x1082;
	s9 =	sld [smem:$0x3FB6]  }
0x2f: {  	lr =	sadd.s32 s0, s3;
	s0 =	sld [smem:$0x3FAD]  }
0x30: {  	s3 =	sld [smem:$0x3FB0]  }
0x31: {  	[smem:$0x3FB9] =	sst s10  }
0x32: {  	s10 =	sld [smem:$0x3FB7];
	_ =	sdelay $0x3  }
0x33: {  	p0 =	seq.s32 s10, $0x1;
	s10 =	sld [smem:$0x3FB9];
	_ =	sdelay $0x3  }
0x34: {  	[smem:$0x3FB9] =	sst s10  }
0x35: {  	s10 =	sld [smem:$0x3FB8];
	_ =	sdelay $0x3  }
0x36: {  	p1 =	seq.s32 s10, $0x1;
	s10 =	sld [smem:$0x3FB9];
	_ =	sdelay $0x3  }
0x37: {  	[smem:$0x3FB9] =	sst s10  }
0x38: {  	s10 =	sld [smem:$0x3FBA]  }
0x39: {  	_ = 	snop;
	(pc) =	sbr.ind lr, $3  }
0x3a: {  	_ = 	snop  }
0x3b: {  	_ = 	snop  }
0x3c: {  	p2 =	seq.s32 s10, $0x1;
	s10 =	sld [smem:$0x3FB9]  }
0x3d: {  	_ =	shalt  }
0x3e: {  	_ =	shalt  }
0x3f: {  	_ =	shalt  }
0x40: {  	_ =	shalt  }
0x41: {  	_ =	shalt  }
0x42: {  	_ =	shalt  }
0x43: {  	_ =	shalt  }
0x44: {  	_ =	shalt  }
0x45: {  	_ =	shalt  }
0x46: {  	_ =	shalt  }
0x47: {  	_ =	shalt  }
0x48: {  	_ =	shalt  }
0x49: {  	_ =	shalt  }
0x4a: {  	_ =	shalt  }
0x4b: {  	_ =	shalt  }
0x4c: {  	_ =	shalt  }
0x4d: {  	_ =	shalt  }
0x4e: {  	_ =	shalt  }
0x4f: {  	_ =	shalt  }
0x50: {  	_ =	shalt  }
0x51: {  	_ =	shalt  }
0x52: {  	_ =	shalt  }
0x53: {  	_ =	shalt  }
0x54: {  	_ =	shalt  }
0x55: {  	_ =	shalt  }
0x56: {  	_ =	shalt  }
0x57: {  	_ =	shalt  }
0x58: {  	_ =	shalt  }
0x59: {  	_ =	shalt  }
0x5a: {  	_ =	shalt  }
0x5b: {  	_ =	shalt  }
0x5c: {  	_ =	shalt  }
0x5d: {  	_ =	shalt  }
0x5e: {  	_ =	shalt  }
0x5f: {  	_ =	shalt  }
0x60: {  	_ =	shalt  }
0x61: {  	_ =	shalt  }
0x62: {  	_ =	shalt  }
0x63: {  	_ =	shalt  }
0x64: {  	_ =	shalt  }
0x65: {  	_ =	shalt  }
0x66: {  	_ =	shalt  }
0x67: {  	_ =	shalt  }
0x68: {  	_ =	shalt  }
0x69: {  	_ =	shalt  }
0x6a: {  	_ =	shalt  }
0x6b: {  	_ =	shalt  }
0x6c: {  	_ =	shalt  }
0x6d: {  	_ =	shalt  }
0x6e: {  	_ =	shalt  }
0x6f: {  	_ =	shalt  }
0x70: {  	_ =	shalt  }
0x71: {  	_ =	shalt  }
0x72: {  	_ =	shalt  }
0x73: {  	_ =	shalt  }
0x74: {  	_ =	shalt  }
0x75: {  	_ =	shalt  }
0x76: {  	_ =	shalt  }
0x77: {  	_ =	shalt  }
0x78: {  	_ =	shalt  }
0x79: {  	_ =	shalt  }
0x7a: {  	_ =	shalt  }
0x7b: {  	_ =	shalt  }
0x7c: {  	_ =	shalt  }
0x7d: {  	_ =	shalt  }
0x7e: {  	_ =	shalt  }
0x7f: {  	_ =	shalt  }
0x80: {  	_ =	shalt  }
0x81: {  	_ =	shalt  }
0x82: {  	_ =	shalt  }
0x83: {  	_ =	shalt  }
0x84: {  	_ =	shalt  }
0x85: {  	_ =	shalt  }
0x86: {  	_ =	shalt  }
0x87: {  	_ =	shalt  }
.Lfunc_end0:
.L_simem_size_0:
called_computation.1_lowered:
.L_overlay_start_0:
0x88: {  	s2 =	sld [smem:$0x3FD9]  }
0x89: {  	s3 =	sld [smem:$0x3FFE];
	_ =	sdelay $0x1  }
0x8a: {  	s1 =	srdreg.scid  }
0x8b: {  	s0 =	sand.u32 $0x1, s1  }
0x8c: {  	s17 =	sshll.u32 s0, $0xA;
	s2 =	sadd.s32 s3, s2  }
0x8d: {  	s2 =	sadd.s32 s2, s17  }
0x8e: {  	[smem:$0x3FC5] =	sst s2  }
0x8f: {  	_ = 	snop  }
0x90: {  	s2 =	sld [smem:$0x3FD0];
	(tm) =	ssettm $0x1  }
0x91: {  	s18 =	sld [smem:$0x3FFB];
	_ =	sdelay $0x3  }
0x92: {  	_ =	strace s18  }
0x93: {  	s3 =	sld [smem:$0x3FFC];
	_ =	sdelay $0x3  }
0x94: {  	_ =	strace s3  }
0x95: {  	s3 =	sld [smem:$0x3FFD];
	_ =	sdelay $0x3  }
0x96: {  	_ =	strace s3  }
0x97: {  	_ =	strace $0x8FFFFFFF  }
0x98: {  	s19 =	sld [smem:$0x3FDB];
	_ =	sdelay $0x1  }
0x99: {  	s4 =	simm.s32 $_scs_section_size  }
0x9a: {  	s5 =	simm.s32 $_size__tile_overlayer_lowered;
	s6 =	simm.s32 $_tile_overlayer_lowered  }
0x9b: {  	s22 =	simm.s32 $0x1BFF;
	s21 =	sshll.u32 s6, $0x1;
	s3 =	sadd.s32 s4, s19  }
0x9c: {  	s7 =	simm.s32 $0x0;
	s20 =	sshll.u32 s5, $0x1;
	s5 =	sadd.s32 s21, s3  }
0x9d: {  	[timem:s7], [sflag:s22] =	dma.local [hbm:s5], s20  }
0x9e: {  	_ =	swait.ge [sflag:s22], s20  }
0x9f: {  	s4 =	ssub.s32 $0x0, s20;
	[sflag:s22] =	ssyncset.done $0x0  }
0xa0: {  	[sflag:s22] =	ssyncadd.s32 s4;
	_ =	sdelay $0x1  }
0xa1: {  	s23 =	simm.s32 $0x1B8B  }
0xa2: {  	_ =	swait.ge [sflag:s23], $0x1  }
0xa3: {  	[sflag:s23] =	ssyncset.done $0x0  }
0xa4: {  	s25 =	simm.s32 $0x1B8E;
	s24 =	sld [smem:$0x3FFE];
	[sflag:s23] =	ssyncadd.s32 $0xFFFFFFFF  }
0xa5: {  	s26 =	simm.s32 $execute0_lowered;
	[smem:$0x3FD2] =	sst s25  }
0xa6: {  	s5 =	sshll.u32 s26, $0x1;
	_ =	strace $0x80000046;
	[dreg:$0x1] =	wrdreg $0xFFFFFFFF  }
0xa7: {  	s28 =	simm.s32 $_size_execute0_lowered;
	s3 =	sadd.s32 s3, s5;
	[dreg:$0x0] =	wrdreg $0x0  }
0xa8: {  	s5 =	sshll.u32 s28, $0x1;
	[dreg:$0x2] =	wrdreg s3  }
0xa9: {  	[dreg:$0x3] =	wrdreg s5  }
0xaa: {  	[dreg:$0x4] =	wrdreg $0xC0  }
0xab: {  	_ =	task [dreg:s7], $0x5FFFF  }
0xac: {  	[dreg:$0x1] =	wrdreg $0xFFFFFFFF  }
0xad: {  	[dreg:$0x0] =	wrdreg $0x60  }
0xae: {  	[dreg:$0x2] =	wrdreg s24  }
0xaf: {  	[dreg:$0x3] =	wrdreg s2  }
0xb0: {  	[dreg:$0x4] =	wrdreg $0x9  }
0xb1: {  	_ =	task.clear_ibuf [dreg:s7], $0x5FFFF;
	_ =	strace $0x90000046  }
0xb2: {  	s29 =	simm.s32 $0x9;
	_ =	strace $0x80000048  }
0xb3: {  	_ =	swait.ge [sflag:s29], $0x1  }
0xb4: {  	[sflag:s29] =	ssyncadd.s32 $0xFFFFFFFF  }
0xb5: {  	_ =	strace $0x90000048  }
0xb6: {  	_ =	sfence  }
0xb7: {  	s30 =	sld [smem:$0x0];
	_ =	sdelay $0x2  }
0xb8: {  	s31 =	sshll.u32 s1, $0xD;
	s1 =	sshrl.u32 s1, $0x2  }
0xb9: {  	s3 =	sand.u32 $0x4000, s31;
	s1 =	sadd.s32 s1, s30  }
0xba: {  	s0 =	sor.u32 s3, s0;
	s1 =	sshll.u32 s1, $0x11  }
0xbb: {  	s0 =	sor.u32 s1, s0  }
0xbc: {  	s0 =	sadd.s32 $0x8F2B, s0  }
0xbd: {  	[sflag:s0] =	ssyncadd.remote.s32 $0x1  }
0xbe: {  	_ =	sfence.sel $0xFFFF  }
0xbf: {  	[dreg:$0x0] =	wrdreg $0xFFFFFFFF;
	(pc) =	sbr.abs _section_cstart, $3  }
0xc0: {  	[dreg:$0x1] =	wrdreg $0xFFFFFFFF  }
0xc1: {  	_ =	task.clear_ibuf [dreg:s7], $0x2FFFF;
	_ =	strace $0x9FFFFFFF  }
0xc2: {  	(tm) =	ssettm $0x7FFFFFFF  }
0xc3: {  	_ =	shalt  }
tec
execute0_lowered:
.L_overlay_start_1:
0x0: {  	(tag) =	ssettag $0x1  }
0x1: {  	s1 =	srdreg.scid;
	s6 =	rddreg [dreg:$0x0]  }
0x2: {  	s0 =	stileid.u32;
	s2 =	rddreg [dreg:$0x1];
	s4 =	simm.s32 $0x0  }
0x3: {  	s10 =	simm.s32 $0x7;
	s11 =	simm.s32 $0x64;
	s5 =	sand.u32 $0x1, s1  }
0x4: {  	s12 =	simm.s32 $0x0;
	s31 =	sshll.u32 s0, $0x8;
	s3 =	sshll.u32 s5, $0x7  }
.Ltmp0:
0x5: {  	s1 =	rddreg [dreg:$0x2];
	s3 =	sor.u32 s3, s31;
	(pc) =	sbr.rel .LBB2_1-.Ltmp0, $4  }
0x6: {  	[smem:$0x7FF] =	sst s4;
	s8 =	ssub.s32 $0x2, s5;
	s7 =	smul.u32 $0x1A, s3  }
0x7: {  	_ =	strace $0x80000047;
	s5 =	sadd.s32 $0x1EA00, s6;
	s9 =	sshrl.u32 s8, $0x1  }
0x8: {  	s8 =	ssub.s32 s8, s9;
	s9 =	simm.s32 $0x6800;
	s7 =	sadd.s32 s7, s6  }
0x9: {  	s8 =	smax.u32 s8, $0x1;
	s6 =	sadd.s32 $0xA00, s6;
	s7 =	sadd.s32 $0x4A00, s7  }
.LBB2_7:
0xa: {  	s12 =	sadd.s32 $0x1, s12  }
0xb: {  	p0 =	sne.s32 s12, s8  }
.Ltmp1:
0xc: {  	_ = 	snop;
	(pc) =	sbr.rel @!p0 .LBB2_8-.Ltmp1, $1  }
0xd: {  	_ =	sdelay $0x3  }
.LBB2_1:
0xe: {  	[tilespmem:s9], [sflag:$0x7] =	stream.linear.gather [hbm4b:s6+s4], $0x3200, $0x38;
	[tilespmem:$0x13000] =	vst v63  }
0xf: {  	_ =	swait.ge [sflag:s10], $0x3200  }
0x10: {  	[sflag:s10] =	ssyncset.done $0x0  }
.Ltmp2:
0x11: {  	[sflag:s10] =	ssyncadd.s32 $0xFFFFCE00;
	(pc) =	sbr.rel .LBB2_2-.Ltmp2, $4  }
0x12: {  	[tilespmem:s4], [sflag:$0x7] =	stream.linear.gather [hbm4b:s7+s4], $0x6800, $0x38;
	[tilespmem:$0x13000] =	vst v63  }
0x13: {  	_ =	swait.ge [sflag:s10], $0x6800  }
0x14: {  	[sflag:s10] =	ssyncset.done $0x0  }
0x15: {  	s13 =	simm.s32 $0x0;
	[sflag:s10] =	ssyncadd.s32 $0xFFFF9800  }
.LBB2_6:
0x16: {  	s14 =	sadd.s32 $0xFFFFFFFF, s13  }
0x17: {  	p0 =	sgt.u32 s14, $0x7F  }
0x18: {  	s15 =	smul.u32 @!p0 $0xAB, s14;
	_ =	sdelay $0x1  }
0x19: {  	s15 =	sshrl.u32 @!p0 s15, $0x9  }
0x1a: {  	s15 =	sand.u32 @!p0 $0x7F, s15  }
0x1b: {  	s15 =	smul.u32 @!p0 $0x3, s15;
	_ =	sdelay $0x1  }
0x1c: {  	s15 =	ssub.s32 @!p0 s14, s15  }
0x1d: {  	s15 =	sand.u32 @!p0 $0xFF, s15  }
0x1e: {  	s16 =	sadd.s32 @!p0 $0x1, s15  }
0x1f: {  	s14 =	sor.u32 @!p0 s3, s14;
	_ =	swait.ge @!p0 [sflag:s16], $0x1900  }
0x20: {  	s14 =	smul.u32 @!p0 $0x3200, s14;
	[sflag:s16] =	ssyncset.done @!p0 $0x0  }
0x21: {  	s17 =	smul.u32 @!p0 $0xC800, s15;
	[sflag:s16] =	ssyncadd.s32 @!p0 $0xFFFFE700  }
0x22: {  	s15 =	sor.u32 @!p0 $0x4, s15;
	s14 =	sshrl.u32 @!p0 s14, $0x3;
	_ =	swait.ge @!p0 [sflag:s16], $0x1900  }
0x23: {  	s17 =	sshrl.u32 @!p0 s17, $0x2;
	s14 =	sadd.s32 @!p0 s2, s14;
	[sflag:s16] =	ssyncset.done @!p0 $0x0  }
0x24: {  	s18 =	sadd.s32 @!p0 $0x9A00, s17;
	[sflag:s16] =	ssyncadd.s32 @!p0 $0xFFFFE700;
	s16 =	simm.s32 @!p0 $0x0  }
0x25: {  	[hbm4b:s14+s16] =	stream.linear.scatter @!p0 [tilespmem:s18], [sflag:s15], $0x1900, $0x38;
	[tilespmem:$0x13000] =	vst v63  }
0x26: {  	s13 =	sadd.s32 $0x1, s13;
	s17 =	sadd.s32 @!p0 $0xB300, s17;
	s14 =	sadd.s32 @!p0 $0x320, s14  }
0x27: {  	[hbm4b:s14+s16] =	stream.linear.scatter @!p0 [tilespmem:s17], [sflag:s15], $0x1900, $0x38;
	[tilespmem:$0x13000] =	vst v63  }
0x28: {  	p0 =	sne.s32 s13, $0x83  }
.Ltmp3:
0x29: {  	_ = 	snop;
	(pc) =	sbr.rel @!p0 .LBB2_7-.Ltmp3, $1  }
0x2a: {  	_ =	sdelay $0x3  }
.LBB2_2:
0x2b: {  	p0 =	slt.u32 s13, $0x3  }
0x2c: {  	s14 =	sadd.s32 @!p0 $0xFFFFFFFD, s13  }
0x2d: {  	s15 =	sand.u32 @!p0 $0xFF, s14  }
0x2e: {  	s15 =	smul.u32 @!p0 $0xAB, s15;
	_ =	sdelay $0x1  }
0x2f: {  	s15 =	sshrl.u32 @!p0 s15, $0x9  }
0x30: {  	s15 =	smul.u32 @!p0 $0x3, s15;
	_ =	sdelay $0x1  }
0x31: {  	s14 =	ssub.s32 @!p0 s14, s15  }
0x32: {  	s14 =	sor.u32 @!p0 $0x4, s14  }
0x33: {  	p1 =	sgt.u32 @!p0 s13, $0x7F;
	s14 =	sand.u32 @!p0 $0xFF, s14  }
0x34: {  	p1 =	por p0, !p1;
	_ =	swait.ge @!p0 [sflag:s14], $0x1900  }
.Ltmp4:
0x35: {  	[sflag:s14] =	ssyncset.done @!p0 $0x0;
	(pc) =	sbr.rel @!p1 .LBB2_6-.Ltmp4, $4  }
0x36: {  	[sflag:s14] =	ssyncadd.s32 @!p0 $0xFFFFE700  }
0x37: {  	_ =	swait.ge @!p0 [sflag:s14], $0x1900  }
0x38: {  	[sflag:s14] =	ssyncset.done @!p0 $0x0  }
0x39: {  	[sflag:s14] =	ssyncadd.s32 @!p0 $0xFFFFE700  }
0x3a: {  	s14 =	smul.u32 $0xAB, s13;
	_ =	sdelay $0x1  }
0x3b: {  	s14 =	sshrl.u32 s14, $0x9  }
0x3c: {  	s14 =	sand.u32 $0x7F, s14  }
0x3d: {  	s14 =	smul.u32 $0x3, s14;
	_ =	sdelay $0x1  }
0x3e: {  	s14 =	ssub.s32 s13, s14  }
0x3f: {  	s14 =	sand.u32 $0xFF, s14  }
0x40: {  	s18 =	simm.s32 $0x6820;
	s15 =	smul.u32 $0xC800, s14  }
0x41: {  	s17 =	simm.s32 $0x0;
	p0 =	por $0x0, $0x0;
	v0 =	vld [tilespmem:s18+$0xFFFFFFE0]  }
0x42: {  	s19 =	simm.s32 $0x1900;
	p1 =	por $0x1, $0x1;
	s15 =	sshrl.u32 s15, $0x2  }
0x43: {  	s20 =	simm.s32 $0xFFFFE700;
	s19 =	simm.s32 @!p0 $0x0;
	s16 =	sadd.s32 $0x9A00, s15  }
0x44: {  	s20 =	smov.u32 @p1 s17;
	s19 =	sadd.s32 s19, s16  }
0x45: {  	s19 =	sadd.s32 s20, s19  }
0x46: {  	[tilespmem:s19+$0x0] =	vst v0  }
0x47: {  	v0 =	vld [tilespmem:s18+$0xFFFFFFF0];
	_ =	sdelay $0x4  }
0x48: {  	[tilespmem:s19+$0x10] =	vst v0  }
0x49: {  	v0 =	vld [tilespmem:s18+$0x0];
	_ =	sdelay $0x4  }
0x4a: {  	[tilespmem:s19+$0x20] =	vst v0  }
0x4b: {  	v0 =	vld [tilespmem:s18+$0x10];
	_ =	sdelay $0x4  }
0x4c: {  	s18 =	simm.s32 $0x6860;
	[tilespmem:s19+$0x30] =	vst v0  }
0x4d: {  	s20 =	simm.s32 $0x1;
	s19 =	simm.s32 $0x2;
	v0 =	vld [tilespmem:s18+$0xFFFFFFE0]  }
.LBB2_4:
0x4e: {  	p0 =	sne.s32 s19, $0xC7;
	p1 =	sgt.u32 s20, $0x63  }
0x4f: {  	s17 =	sadd.s32 $0x40, s17;
	p2 =	slt.u32 s20, $0x64;
	s20 =	simm.s32 $0x1900  }
0x50: {  	s20 =	simm.s32 @!p1 $0x0;
	s21 =	sadd.s32 $0xFFFFE700, s17  }
0x51: {  	s21 =	smov.u32 @p2 s17;
	s22 =	sadd.s32 s20, s16;
	s20 =	smov.u32 s19  }
0x52: {  	s21 =	sadd.s32 s21, s22  }
0x53: {  	[tilespmem:s21+$0x0] =	vst v0  }
0x54: {  	v0 =	vld [tilespmem:s18+$0xFFFFFFF0];
	_ =	sdelay $0x4  }
0x55: {  	[tilespmem:s21+$0x10] =	vst v0  }
0x56: {  	v0 =	vld [tilespmem:s18+$0x0];
	_ =	sdelay $0x4  }
0x57: {  	[tilespmem:s21+$0x20] =	vst v0  }
0x58: {  	v0 =	vld [tilespmem:s18+$0x10];
	_ =	sdelay $0x1  }
.Ltmp5:
0x59: {  	(pc) =	sbr.rel @p0 .LBB2_4-.Ltmp5, $3  }
0x5a: {  	_ =	sdelay $0x1  }
0x5b: {  	s18 =	sadd.s32 $0x40, s18;
	[tilespmem:s21+$0x30] =	vst v0  }
0x5c: {  	s19 =	sadd.s32 $0x1, s19;
	v0 =	vld [tilespmem:s18+$0xFFFFFFE0]  }
0x5d: {  	p0 =	sgt.u32 s20, $0x63;
	s17 =	sadd.s32 $0x40, s17;
	s19 =	simm.s32 $0x1900  }
0x5e: {  	p1 =	slt.u32 s20, $0x64;
	s19 =	simm.s32 @!p0 $0x0;
	s20 =	sadd.s32 $0xFFFFE700, s17  }
0x5f: {  	s20 =	smov.u32 @p1 s17;
	s28 =	sadd.s32 s19, s16  }
0x60: {  	s17 =	sadd.s32 s20, s28  }
0x61: {  	[tilespmem:s17+$0x0] =	vst v0  }
0x62: {  	v0 =	vld [tilespmem:s18+$0xFFFFFFF0];
	_ =	sdelay $0x4  }
0x63: {  	[tilespmem:s17+$0x10] =	vst v0  }
0x64: {  	v0 =	vld [tilespmem:s18+$0x0];
	_ =	sdelay $0x4  }
0x65: {  	[tilespmem:s17+$0x20] =	vst v0  }
0x66: {  	v0 =	vld [tilespmem:s18+$0x10];
	_ =	sdelay $0x2  }
0x67: {  	s29 =	smul.u32 $0x340, s13  }
.Ltmp6:
0x68: {  	_ = 	snop;
	(pc) =	sbr.rel .LBB2_6-.Ltmp6, $4  }
0x69: {  	s14 =	sadd.s32 $0x1, s14;
	s30 =	sshra.s32 s29, $0x2;
	[tilespmem:s17+$0x30] =	vst v0  }
0x6a: {  	[tilespmem:s16], [sflag:s14] =	stream.indirect.gather.add.f32 [hbm:s5], $0x40, s30, s11, $0xb8;
	[tilespmem:$0x13000] =	vst v63  }
0x6b: {  	s15 =	sadd.s32 $0xB300, s15;
	s31 =	sadd.s32 $0x68, s30  }
0x6c: {  	[tilespmem:s15], [sflag:s14] =	stream.indirect.gather.add.f32 [hbm:s5], $0x40, s31, s11, $0xb8;
	[tilespmem:$0x13000] =	vst v63  }
.LBB2_8:
0x6d: {  	_ =	sfence.sel $0x180000  }
0x6e: {  	[bflag:$0x0] =	sbarrier.arrive $0xFFFF  }
0x6f: {  	p0 =	sne.s32 s0, $0x0;
	_ =	strace $0x90000047  }
0x70: {  	s0 =	sadd.s32 @!p0 $0x100000, s1;
	[bflag:$0x2] =	sbarrier.arrive $0xFFFF  }
0x71: {  	[sflag:s0] =	ssyncadd.tile.s32 @!p0 $0x1;
	_ =	shalt  }
.Lfunc_end2:
_tile_overlayer_lowered:
.L_overlay_start_2:
0x72: {  	(tag) =	ssettag $0x2  }
0x73: {  	s0 =	rddreg [dreg:$0x0];
	s2 =	stileid.u32  }
0x74: {  	s1 =	rddreg [dreg:$0x1];
	p0 =	sne.s32 s2, $0x0  }
0x75: {  	s3 =	rddreg [dreg:$0x2];
	[bflag:$0x3] =	sbarrier.arrive $0xFFFF;
	s2 =	simm.s32 @!p0 $0x1C07  }
0x76: {  	[timem:s3], [sflag:s2] =	dma.local @!p0 [hbm:s0], s1  }
0x77: {  	s0 =	simm.s32 @!p0 $0x7  }
0x78: {  	_ =	swait.ge @!p0 [sflag:s0], s1  }
0x79: {  	s1 =	ssub.s32 @!p0 $0x0, s1;
	[sflag:s0] =	ssyncset.done @!p0 $0x0  }
0x7a: {  	[sflag:s0] =	ssyncadd.s32 @!p0 s1  }
0x7b: {  	[bflag:$0x3] =	sbarrier.arrive $0xFFFF  }
0x7c: {  	_ =	shalt  }

// kernel: sparse-core-data-format-call.cloned.1.call-start
scs
called_computation_lowered:
.L_overlay_start_0:
0x0: {  	s2 =	sld [smem:$0x3FD9]  }
0x1: {  	s3 =	sld [smem:$0x3FFE];
	_ =	sdelay $0x1  }
0x2: {  	s1 =	srdreg.scid  }
0x3: {  	s0 =	sand.u32 $0x1, s1  }
0x4: {  	s18 =	sshll.u32 s0, $0xA;
	s2 =	sadd.s32 s3, s2  }
0x5: {  	s2 =	sadd.s32 s2, s18  }
0x6: {  	[smem:$0x3FC5] =	sst s2  }
0x7: {  	_ = 	snop  }
0x8: {  	s2 =	sld [smem:$0x3FD0];
	(tm) =	ssettm $0x1  }
0x9: {  	s19 =	sld [smem:$0x3FFB];
	_ =	sdelay $0x3  }
0xa: {  	_ =	strace s19  }
0xb: {  	s3 =	sld [smem:$0x3FFC];
	_ =	sdelay $0x3  }
0xc: {  	_ =	strace s3  }
0xd: {  	s3 =	sld [smem:$0x3FFD];
	_ =	sdelay $0x3  }
0xe: {  	_ =	strace s3  }
0xf: {  	_ =	strace $0x8FFFFFFF  }
0x10: {  	s20 =	sld [smem:$0x3FDB];
	_ =	sdelay $0x1  }
0x11: {  	s4 =	simm.s32 $_scs_section_size  }
0x12: {  	s5 =	simm.s32 $_size__tile_overlayer_lowered;
	s6 =	simm.s32 $_tile_overlayer_lowered  }
0x13: {  	s23 =	simm.s32 $0x1BFF;
	s22 =	sshll.u32 s6, $0x1;
	s3 =	sadd.s32 s4, s20  }
0x14: {  	s7 =	simm.s32 $0x0;
	s21 =	sshll.u32 s5, $0x1;
	s5 =	sadd.s32 s22, s3  }
0x15: {  	[timem:s7], [sflag:s23] =	dma.local [hbm:s5], s21  }
0x16: {  	_ =	swait.ge [sflag:s23], s21  }
0x17: {  	s4 =	ssub.s32 $0x0, s21;
	[sflag:s23] =	ssyncset.done $0x0  }
0x18: {  	[sflag:s23] =	ssyncadd.s32 s4;
	_ =	sdelay $0x1  }
0x19: {  	s24 =	simm.s32 $0x1B8B  }
0x1a: {  	_ =	swait.ge [sflag:s24], $0x1  }
0x1b: {  	[sflag:s24] =	ssyncset.done $0x0  }
0x1c: {  	s26 =	simm.s32 $0x1B8E;
	s25 =	sld [smem:$0x3FFE];
	[sflag:s24] =	ssyncadd.s32 $0xFFFFFFFF  }
0x1d: {  	s27 =	simm.s32 $execute0_lowered;
	[smem:$0x3FD2] =	sst s26  }
0x1e: {  	s5 =	sshll.u32 s27, $0x1;
	_ =	strace $0x80000049;
	[dreg:$0x1] =	wrdreg $0xFFFFFFFF  }
0x1f: {  	s28 =	simm.s32 $_size_execute0_lowered;
	s3 =	sadd.s32 s3, s5;
	[dreg:$0x0] =	wrdreg $0x0  }
0x20: {  	s5 =	sshll.u32 s28, $0x1;
	[dreg:$0x2] =	wrdreg s3  }
0x21: {  	[dreg:$0x3] =	wrdreg s5  }
0x22: {  	[dreg:$0x4] =	wrdreg $0xC0  }
0x23: {  	_ =	task [dreg:s7], $0x5FFFF  }
0x24: {  	[dreg:$0x1] =	wrdreg $0xFFFFFFFF  }
0x25: {  	[dreg:$0x0] =	wrdreg $0x60  }
0x26: {  	[dreg:$0x2] =	wrdreg s25  }
0x27: {  	[dreg:$0x3] =	wrdreg s2  }
0x28: {  	[dreg:$0x4] =	wrdreg $0x9  }
0x29: {  	_ =	task.clear_ibuf [dreg:s7], $0x5FFFF;
	_ =	strace $0x90000049  }
0x2a: {  	s29 =	simm.s32 $0x9;
	_ =	strace $0x8000004B  }
0x2b: {  	_ =	swait.ge [sflag:s29], $0x1  }
0x2c: {  	[sflag:s29] =	ssyncadd.s32 $0xFFFFFFFF  }
0x2d: {  	_ =	strace $0x9000004B  }
0x2e: {  	_ =	sfence  }
0x2f: {  	s30 =	sld [smem:$0x0];
	_ =	sdelay $0x2  }
0x30: {  	s31 =	sshll.u32 s1, $0xD;
	s1 =	sshrl.u32 s1, $0x2  }
0x31: {  	s3 =	sand.u32 $0x4000, s31;
	s1 =	sadd.s32 s1, s30  }
0x32: {  	s0 =	sor.u32 s3, s0;
	s1 =	sshll.u32 s1, $0x11  }
0x33: {  	s0 =	sor.u32 s1, s0  }
0x34: {  	s0 =	sadd.s32 $0x8F2B, s0  }
0x35: {  	[sflag:s0] =	ssyncadd.remote.s32 $0x1  }
0x36: {  	_ =	sfence.sel $0xFFFF  }
0x37: {  	[dreg:$0x0] =	wrdreg $0xFFFFFFFF;
	(pc) =	sbr.abs _section_cstart, $3  }
0x38: {  	[dreg:$0x1] =	wrdreg $0xFFFFFFFF  }
0x39: {  	_ =	task.clear_ibuf [dreg:s7], $0x2FFFF;
	_ =	strace $0x9FFFFFFF  }
0x3a: {  	(tm) =	ssettm $0x7FFFFFFF  }
0x3b: {  	_ =	shalt  }
tec
execute0_lowered:
.L_overlay_start_1:
0x0: {  	(tag) =	ssettag $0x1  }
0x1: {  	s0 =	srdreg.scid  }
0x2: {  	s1 =	sshll.u32 s0, $0x4  }
0x3: {  	s0 =	stileid.u32;
	s1 =	sand.u32 $0x10, s1  }
0x4: {  	s1 =	sor.u32 s0, s1  }
0x5: {  	s6 =	rddreg [dreg:$0x0];
	s4 =	simm.s32 $0x1;
	s2 =	sshll.u32 s1, $0x7  }
0x6: {  	s7 =	simm.s32 $0x2;
	s12 =	simm.s32 $0x0;
	s1 =	ssub.s32 $0x1000, s2  }
0x7: {  	s8 =	simm.s32 $0x8000;
	s13 =	simm.s32 $0x0;
	s3 =	sand.u32 $0xF80, s1  }
0x8: {  	s9 =	simm.s32 $0x0;
	s5 =	sshrl.u32 s1, $0xC;
	p0 =	sne.s32 s3, $0x0  }
.Ltmp0:
0x9: {  	s1 =	rddreg [dreg:$0x2];
	s4 =	simm.s32 @!p0 $0x0;
	(pc) =	sbr.rel .LBB1_1-.Ltmp0, $4  }
0xa: {  	s11 =	simm.s32 $0x0;
	s3 =	rddreg [dreg:$0x1];
	s5 =	sadd.s32 s4, s5  }
0xb: {  	_ =	strace $0x8000004A;
	s4 =	simm.s32 $0x1;
	s5 =	smul.u32 $0xC8, s5  }
0xc: {  	s6 =	sadd.s32 $0xA00, s6;
	s10 =	smov.u32 s2;
	[sflag:s4] =	ssyncpa.u1 $0x0  }
0xd: {  	p0 =	por $0x0, $0x0;
	[sflag:s7] =	ssyncpa.u1 $0x0;
	s7 =	sor.u32 $0x1, s5  }
.LBB1_4:
0xe: {  	s16 =	sshll.u32 s13, $0x3;
	s17 =	sand.u32 $0x78, s13  }
0xf: {  	s30 =	sand.u32 $0x7E00, s13;
	s12 =	sshll.u32 s12, $0xF;
	s16 =	sand.u32 $0xC00, s16  }
0x10: {  	[tilespmem:s15+$0x810 ss:$0x81] =	vst.msk $0xffff, v2;
	s31 =	sand.u32 $0x7, s13;
	s16 =	sor.u32 s17, s16;
	s17 =	sadd.s32 s3, s30  }
0x11: {  	[tilespmem:s15+$0x1020 ss:$0x81] =	vst.msk $0xffff, v0;
	s13 =	sshll.u32 s31, $0x12;
	s12 =	sadd.s32 s12, s17;
	s16 =	sshrl.u32 s16, $0x3  }
0x12: {  	[tilespmem:s15+$0x0 ss:$0x81] =	vst.msk $0xffff, v1;
	s13 =	sor.u32 $0x400, s13;
	s12 =	sadd.s32 s16, s12  }
0x13: {  	[hbm4b:s12+s13] =	stream.strided.scatter [tilespmem:s14], [sflag:$0x2], $0x2000, s8, s13, $0x20;
	[tilespmem:$0x8080] =	vst v63  }
.LBB1_5:
0x14: {  	s14 =	sadd.s32 $0x1, s9  }
0x15: {  	s12 =	sadd.s32 $0x1000, s10;
	s16 =	smov.u32 s10;
	p2 =	sgt.s32 s14, $0xC7  }
0x16: {  	s16 =	smov.u32 @p2 s12  }
0x17: {  	s14 =	simm.s32 @p2 $0x0;
	p2 =	sgt.s32 s16, $0xFFF  }
0x18: {  	s16 =	smov.u32 @p2 s2;
	p2 =	sne.s32 s11, s7  }
.Ltmp1:
0x19: {  	p1 =	slt.u32 s11, $0x2;
	(pc) =	sbr.rel @!p2 .LBB1_6-.Ltmp1, $4  }
0x1a: {  	s15 =	simm.s32 @!p1 $0x2  }
0x1b: {  	s13 =	smov.u32 s10;
	p0 =	por !p0, !p0;
	_ =	swait.ge @!p1 [sflag:s15], $0x2000  }
0x1c: {  	s12 =	smov.u32 s9;
	[sflag:s15] =	ssyncset.done @!p1 $0x0;
	s9 =	smov.u32 s14  }
0x1d: {  	s11 =	sadd.s32 $0x1, s11;
	[sflag:s15] =	ssyncadd.s32 @!p1 $0xFFFFE000;
	s10 =	smov.u32 s16  }
.LBB1_1:
0x1e: {  	p1 =	sge.u32 s11, s5  }
0x1f: {  	s14 =	sand.u32 @!p1 $0x1FFFFFF, s9  }
0x20: {  	s15 =	smulhi.u32 @!p1 $0x147AE15, s14;
	_ =	sdelay $0x1  }
0x21: {  	s15 =	smul.u32 @!p1 $0xC8, s15  }
0x22: {  	s16 =	sxor.u32 @!p1 $0xFFFFFFFF, s11;
	s17 =	smul.u32 @!p1 $0xC80, s10  }
0x23: {  	s31 =	sadd.s32 $0xFFFFFFFF, s11;
	s16 =	sshll.u32 @!p1 s16, $0xD;
	s14 =	ssub.s32 @!p1 s14, s15  }
0x24: {  	s15 =	sand.u32 @!p1 $0x2000, s16;
	s16 =	sadd.s32 @!p1 s6, s17;
	s14 =	sshll.u32 @!p1 s14, $0x4  }
0x25: {  	s17 =	simm.s32 @!p1 $0x6400;
	s14 =	sadd.s32 @!p1 s14, s16;
	s16 =	simm.s32 @!p1 $0x40  }
0x26: {  	[tilespmem:s15], [sflag:$0x1] =	stream.strided.gather @!p1 [hbm4b:s14+s16], $0x2000, s17, s16, $0x38;
	[tilespmem:$0x8080] =	vst v63  }
0x27: {  	p1 =	sge.u32 s31, s5  }
.Ltmp2:
0x28: {  	_ = 	snop;
	(pc) =	sbr.rel @p1 .LBB1_5-.Ltmp2, $1  }
0x29: {  	_ =	sdelay $0x3  }
0x2a: {  	s14 =	simm.s32 $0x1  }
0x2b: {  	_ =	swait.ge [sflag:s4], $0x2000;
	s14 =	simm.s32 @!p0 $0x0  }
0x2c: {  	[sflag:s4] =	ssyncset.done $0x0;
	s15 =	sshll.u32 s14, $0xD  }
0x2d: {  	[sflag:s4] =	ssyncadd.s32 $0xFFFFE000;
	s18 =	sor.u32 $0x20, s15  }
0x2e: {  	s14 =	smul.u32 $0x8100, s14;
	v3 =	vld [tilespmem:s18+$0x10]  }
0x2f: {  	s30 =	sand.u32 $0x1, s11;
	v2 =	vld [tilespmem:s18+$0xFFFFFFF0]  }
0x30: {  	s15 =	smul.u32 $0x8100, s30;
	s14 =	sshrl.u32 s14, $0x2;
	v0 =	vld [tilespmem:s18+$0x0]  }
0x31: {  	v1 =	vld [tilespmem:s18+$0xFFFFFFE0];
	s16 =	sor.u32 $0x4000, s14  }
0x32: {  	s31 =	sshrl.u32 s15, $0x2;
	s15 =	sadd.s32 $0x0, s16  }
0x33: {  	s17 =	simm.s32 $0x4;
	s18 =	sadd.s32 $0x40, s18;
	s14 =	sor.u32 $0x4000, s31;
	[tilespmem:s15+$0x1830 ss:$0x81] =	vst.msk $0xffff, v3  }
.LBB1_3:
0x34: {  	v3 =	vld [tilespmem:s18+$0x10];
	p1 =	sne.s32 s17, $0x1FC;
	[tilespmem:s15+$0x810 ss:$0x81] =	vst.msk $0xffff, v2;
	s19 =	smov.u32 s17;
	s17 =	sadd.s32 $0x4, s17  }
.Ltmp3:
0x35: {  	v2 =	vld [tilespmem:s18+$0xFFFFFFF0];
	[tilespmem:s15+$0x1020 ss:$0x81] =	vst.msk $0xffff, v0;
	(pc) =	sbr.rel @p1 .LBB1_3-.Ltmp3, $4  }
0x36: {  	v0 =	vld [tilespmem:s18+$0x0];
	[tilespmem:s15+$0x0 ss:$0x81] =	vst.msk $0xffff, v1  }
0x37: {  	s15 =	sshra.s32 s19, $0x2;
	v1 =	vld [tilespmem:s18+$0xFFFFFFE0]  }
0x38: {  	s15 =	sadd.s32 s15, s16  }
0x39: {  	s18 =	sadd.s32 $0x40, s18;
	[tilespmem:s15+$0x1830 ss:$0x81] =	vst.msk $0xffff, v3  }
.Ltmp4:
0x3a: {  	_ = 	snop;
	(pc) =	sbr.rel .LBB1_4-.Ltmp4, $1  }
0x3b: {  	_ =	sdelay $0x3  }
.LBB1_6:
0x3c: {  	_ =	sfence.sel $0x180000  }
0x3d: {  	s2 =	simm.s32 $0x1;
	[bflag:$0x0] =	sbarrier.arrive $0xFFFF  }
0x3e: {  	s31 =	simm.s32 $0x2;
	[sflag:s2] =	ssyncpa.u1 $0x1  }
0x3f: {  	[sflag:s31] =	ssyncpa.u1 $0x1  }
0x40: {  	p0 =	sne.s32 s0, $0x0;
	_ =	strace $0x9000004A  }
0x41: {  	s0 =	sadd.s32 @!p0 $0x100000, s1;
	[bflag:$0x2] =	sbarrier.arrive $0xFFFF  }
0x42: {  	[sflag:s0] =	ssyncadd.tile.s32 @!p0 $0x1;
	_ =	shalt  }
.Lfunc_end1:
_tile_overlayer_lowered:
.L_overlay_start_2:
0x43: {  	(tag) =	ssettag $0x2  }
0x44: {  	s0 =	rddreg [dreg:$0x0];
	s2 =	stileid.u32  }
0x45: {  	s1 =	rddreg [dreg:$0x1];
	p0 =	sne.s32 s2, $0x0  }
0x46: {  	s3 =	rddreg [dreg:$0x2];
	[bflag:$0x3] =	sbarrier.arrive $0xFFFF;
	s2 =	simm.s32 @!p0 $0x1C01  }
0x47: {  	[timem:s3], [sflag:s2] =	dma.local @!p0 [hbm:s0], s1  }
0x48: {  	s0 =	simm.s32 @!p0 $0x1  }
0x49: {  	_ =	swait.ge @!p0 [sflag:s0], s1  }
0x4a: {  	s1 =	ssub.s32 @!p0 $0x0, s1;
	[sflag:s0] =	ssyncset.done @!p0 $0x0  }
0x4b: {  	[sflag:s0] =	ssyncadd.s32 @!p0 s1  }
0x4c: {  	[bflag:$0x3] =	sbarrier.arrive $0xFFFF  }
0x4d: {  	_ =	shalt  }

</sc_bundles>
